<compile_context>
chip_gen: v7x
topology: tpu7x:2x2x1
jax: 0.10.2.dev20260603
libtpu: 0.0.44.dev20260713+nightly
codegen_flags: <defaults>
</compile_context>

<pallas_src>
import functools

import jax
import jax.numpy as jnp
from jax import lax
from jax.experimental import pallas as pl
from jax.experimental.pallas import tpu as pltpu
from jax.experimental.pallas import tpu_sc as plsc


def _sc_gather(table2d, idx):
    nrows = idx.shape[0]
    d = table2d.shape[1]
    info = plsc.get_sparse_core_info()
    nw = info.num_cores * info.num_subcores
    rpw = nrows // nw
    mesh = plsc.VectorSubcoreMesh(core_axis_name="c", subcore_axis_name="s")

    @functools.partial(
        pl.kernel,
        mesh=mesh,
        out_type=jax.ShapeDtypeStruct((nrows, d), jnp.float32),
        scratch_types=[
            pltpu.VMEM((rpw,), jnp.int32),
            pltpu.VMEM((rpw, d), jnp.float32),
            pltpu.SemaphoreType.DMA,
        ],
    )
    def gk(table_hbm, idx_hbm, out_hbm, idx_v, rows_v, sem):
        wid = lax.axis_index("s") * info.num_cores + lax.axis_index("c")
        base = wid * rpw
        pltpu.sync_copy(idx_hbm.at[pl.ds(base, rpw)], idx_v)

        def fire(g, carry):
            vec = idx_v[pl.ds(g * 16, 16)]
            for j in range(16):
                pltpu.async_copy(
                    table_hbm.at[pl.ds(vec[j], 1)],
                    rows_v.at[pl.ds(g * 16 + j, 1)], sem)
            return carry

        lax.fori_loop(0, rpw // 16, fire, 0)

        def drain(k, carry):
            pltpu.make_async_copy(
                table_hbm.at[pl.ds(0, 1)], rows_v.at[pl.ds(0, 1)], sem).wait()
            return carry

        lax.fori_loop(0, rpw, drain, 0)
        pltpu.sync_copy(rows_v, out_hbm.at[pl.ds(base, rpw)])

    return gk(table2d, idx)


def _tc_interact(e2, weff, lin_tile, gmat, bias2, b, d, gb):
    f, n = e2.shape
    nb = gb * d

    def body(e_ref, w_ref, lt_ref, g_ref, b_ref, o_ref):
        e = e_ref[...]
        p = jnp.dot(w_ref[...], e, preferred_element_type=jnp.float32)
        colsum = jnp.sum(e * (p + lt_ref[...]), axis=0, keepdims=True)
        red = jnp.dot(colsum, g_ref[...], preferred_element_type=jnp.float32)
        o_ref[...] = jax.nn.sigmoid(red + b_ref[0, 0])

    return pl.pallas_call(
        body,
        grid=(n // nb,),
        in_specs=[
            pl.BlockSpec((f, nb), lambda i: (0, i)),
            pl.BlockSpec((f, f), lambda i: (0, 0)),
            pl.BlockSpec((f, nb), lambda i: (0, 0)),
            pl.BlockSpec((nb, gb), lambda i: (0, 0)),
            pl.BlockSpec((1, 1), lambda i: (0, 0)),
        ],
        out_specs=pl.BlockSpec((1, gb), lambda i: (0, i)),
        out_shape=jax.ShapeDtypeStruct((1, b), jnp.float32),
    )(e2, weff, lin_tile, gmat, bias2)


def kernel(x, emb_tables, field_cov_w, lin_w, bias):
    b, f = x.shape
    _, v, d = emb_tables.shape
    gb = 128

    xt = x.T.astype(jnp.int32)
    offs = (jnp.arange(f, dtype=jnp.int32) * v)[:, None]
    idx = (xt + offs).reshape(-1)
    table2d = emb_tables.reshape(f * v, d)
    sym = (field_cov_w + field_cov_w.T) * 0.5
    weff = 0.5 * (sym - jnp.diag(jnp.diag(sym)))
    lin_tile = jnp.tile(lin_w, (1, gb))
    nb = gb * d
    gmat = (jnp.arange(nb, dtype=jnp.int32)[:, None] // d
            == jnp.arange(gb, dtype=jnp.int32)[None, :]).astype(jnp.float32)

    e_flat = _sc_gather(table2d, idx)
    e2 = e_flat.reshape(f, b * d)
    out2 = _tc_interact(e2, weff, lin_tile, gmat, bias.reshape(1, 1), b, d, gb)
    return out2.reshape(b)

# --- scband reference (transcript-rebuilt; emitter-appended) ---
"""Pipeline reference for scband-field-weighted-factorization-machine-model-45870250721680 (READ-ONLY COPY).

The authoritative reference and input builder live on the scoring server;
editing this copy changes nothing except your own understanding.
"""

import jax, jax.numpy as jnp
import numpy as np

F_FIELDS = 26
VOCAB = 10000
EMBED_DIM = 64
BATCH = 1024


def setup_inputs(seed: int = 0) -> dict:
    key = jax.random.key(seed)
    k1, k2, k3, k4 = jax.random.split(key, 4)
    x = jax.random.randint(k1, (BATCH, F_FIELDS), 0, VOCAB)
    # per-field embedding tables, stacked: (F, vocab, D)
    emb_tables = jax.random.normal(k2, (F_FIELDS, VOCAB, EMBED_DIM), dtype=jnp.float32) * 0.01
    # field_cov: nn.Linear(F, F, bias=False).weight -> (F, F)
    field_cov_w = jax.random.normal(k3, (F_FIELDS, F_FIELDS), dtype=jnp.float32) * 0.1
    # fwfm_linear: nn.Linear(D, F, bias=False).weight -> (F, D)
    lin_w = jax.random.normal(k4, (F_FIELDS, EMBED_DIM), dtype=jnp.float32) * 0.1
    bias = jnp.array([0.01], dtype=jnp.float32)
    return {"x": x, "emb_tables": emb_tables, "field_cov_w": field_cov_w, "lin_w": lin_w, "bias": bias}


def reference(x, emb_tables, field_cov_w, lin_w, bias):
    # embed_x_2nd: list of per-field lookups, stacked -> (F, B, D)
    embed_x = jax.vmap(lambda tbl, idx: jnp.take(tbl, idx, axis=0))(emb_tables, x.T)
    # FieldWeightedFactorizationMachine.forward (DeepLight-style FwFM)
    outer_fm = jnp.einsum('kij,lij->klij', embed_x, embed_x)  # (F, F, B, D)
    sym = (field_cov_w.T + field_cov_w) * 0.5
    outer_fwfm = jnp.einsum('klij,kl->klij', outer_fm, sym)
    diag = jnp.einsum('kkij->kij', outer_fwfm)  # (F, B, D)
    fwfm_out = (jnp.sum(jnp.sum(outer_fwfm, axis=0), axis=0) - jnp.sum(diag, axis=0)) * 0.5  # (B, D)
    fwfm_second_order = jnp.sum(fwfm_out, axis=1, keepdims=True)  # (B, 1)
    # use_fwlw=True branch: field-weighted linear term
    fwfm_linear = jnp.einsum('ijk,ik->ijk', embed_x, lin_w)  # (F, B, D)
    fwfm_first_order = jnp.sum(jnp.einsum('ijk->ji', fwfm_linear), axis=1, keepdims=True)  # (B, 1)
    out = fwfm_first_order + fwfm_second_order + bias
    return jax.nn.sigmoid(jnp.squeeze(out, axis=1))

if __name__ == "__main__":
    import jax
    _d = setup_inputs()
    print(jax.jit(kernel)(*tuple(_d.values())))

</pallas_src>

<mosaic_0001>
#map = affine_map<(d0, d1) -> (0, 0)>
#map1 = affine_map<(d0, d1) -> (0)>
module attributes {stable_mosaic.version = 14 : i64} {
  func.func @gk(%arg0: i32, %arg1: i32, %arg2: memref<260000x64xf32, #tpu.memory_space<hbm>>, %arg3: memref<26624xi32, #tpu.memory_space<hbm>>, %arg4: memref<26624x64xf32, #tpu.memory_space<hbm>>, %arg5: memref<832xi32, #tpu.memory_space<vmem>>, %arg6: memref<832x64xf32, #tpu.memory_space<vmem>>, %arg7: memref<!tpu.dma_semaphore, #tpu.memory_space<semaphore_mem>>) attributes {dimension_semantics = [#tpu.dimension_semantics<core_parallel>, #tpu.dimension_semantics<subcore_parallel>], iteration_bounds = array<i64: 2, 16>, scalar_prefetch = 0 : i64, scratch_operands = 3 : i64, tpu.core_type = #tpu.core_type<sc_vector_subcore>, window_params = [{transform_indices = #map}, {transform_indices = #map1}, {transform_indices = #map}]} {
    %mul3A = arith.constant 2 : i32
    %mul3A_0 = arith.muli %arg1, %mul3A : i32
    %add3A = arith.addi %mul3A_0, %arg0 : i32
    %mul3A_1 = arith.constant 832 : i32
    %mul3A_2 = arith.muli %add3A, %mul3A_1 : i32
    "tpu.region"() ({
      %run_scoped3A = tpu.sem_alloc : memref<!tpu.dma_semaphore, #tpu.memory_space<semaphore_mem>>
      %dma_start3A = tpu.memref_slice %arg3[%mul3A_2] : memref<26624xi32, #tpu.memory_space<hbm>> -> memref<832xi32, #tpu.memory_space<hbm>>
      %dma_start3A_14 = tpu.memref_slice %arg3[%mul3A_2] : memref<26624xi32, #tpu.memory_space<hbm>> -> memref<832xi32, #tpu.memory_space<hbm>>
      tpu.enqueue_dma source(%dma_start3A_14 : memref<832xi32, #tpu.memory_space<hbm>>) target(%arg5 : memref<832xi32, #tpu.memory_space<vmem>>) target_semaphore(%run_scoped3A : memref<!tpu.dma_semaphore, #tpu.memory_space<semaphore_mem>>)
      %dma_wait3A = tpu.memref_slice %arg3[%mul3A_2] : memref<26624xi32, #tpu.memory_space<hbm>> -> memref<832xi32, #tpu.memory_space<hbm>>
      %dma_wait3A_15 = tpu.memref_slice %arg3[%mul3A_2] : memref<26624xi32, #tpu.memory_space<hbm>> -> memref<832xi32, #tpu.memory_space<hbm>>
      tpu.wait_dma2 semaphore(%run_scoped3A : memref<!tpu.dma_semaphore, #tpu.memory_space<semaphore_mem>>) src(%dma_wait3A_15 : memref<832xi32, #tpu.memory_space<hbm>>) dst(%arg5 : memref<832xi32, #tpu.memory_space<vmem>>)
      tpu.yield
    }) : () -> ()
    %scan3A = arith.constant 0 : i32
    %scan3A_3 = arith.constant 0 : i32
    %scan3A_4 = arith.constant 52 : i32
    %scan3A_5 = arith.addi %scan3A_3, %scan3A_4 : i32
    %scan3A_6 = arith.constant 1 : i32
    scf.for %scan3A_14 = %scan3A_3 to %scan3A_5 step %scan3A_6  : i32 {
      %mul3A_15 = arith.constant 16 : i32
      %mul3A_16 = arith.muli %scan3A_14, %mul3A_15 : i32
      %get3A = arith.index_cast %mul3A_16 : i32 to index
      %get3A_17 = tpu.vector_load %arg5[%get3A] {strides = array<i32>} : memref<832xi32, #tpu.memory_space<vmem>>, vector<16xi32>,
      %get3A_18 = vector.shape_cast %get3A_17 : vector<16xi32> to vector<16xi32>
      %slice3A = vector.extract_strided_slice %get3A_18 {offsets = [0], sizes = [1], strides = [1]} : vector<16xi32> to vector<1xi32>
      %squeeze3A = vector.extract %slice3A[0] : i32 from vector<1xi32>
      %mul3A_19 = arith.constant 16 : i32
      %mul3A_20 = arith.muli %scan3A_14, %mul3A_19 : i32
      %add3A_21 = arith.constant 0 : i32
      %add3A_22 = arith.addi %mul3A_20, %add3A_21 : i32
      %dma_start3A = arith.constant 0 : i32
      %dma_start3A_23 = tpu.memref_slice %arg6[%add3A_22, %dma_start3A] : memref<832x64xf32, #tpu.memory_space<vmem>> -> memref<1x64xf32, #tpu.memory_space<vmem>>
      %dma_start3A_24 = arith.constant 0 : i32
      %dma_start3A_25 = tpu.memref_slice %arg2[%squeeze3A, %dma_start3A_24] : memref<260000x64xf32, #tpu.memory_space<hbm>> -> memref<1x64xf32, #tpu.memory_space<hbm>>
      %dma_start3A_26 = arith.constant 0 : i32
      %dma_start3A_27 = tpu.memref_slice %arg6[%add3A_22, %dma_start3A_26] : memref<832x64xf32, #tpu.memory_space<vmem>> -> memref<1x64xf32, #tpu.memory_space<vmem>>
      %dma_start3A_28 = arith.constant 0 : i32
      %dma_start3A_29 = tpu.memref_slice %arg2[%squeeze3A, %dma_start3A_28] : memref<260000x64xf32, #tpu.memory_space<hbm>> -> memref<1x64xf32, #tpu.memory_space<hbm>>
      tpu.enqueue_dma source(%dma_start3A_29 : memref<1x64xf32, #tpu.memory_space<hbm>>) target(%dma_start3A_27 : memref<1x64xf32, #tpu.memory_space<vmem>>) target_semaphore(%arg7 : memref<!tpu.dma_semaphore, #tpu.memory_space<semaphore_mem>>)
      %slice3A_30 = vector.extract_strided_slice %get3A_18 {offsets = [1], sizes = [1], strides = [1]} : vector<16xi32> to vector<1xi32>
      %squeeze3A_31 = vector.extract %slice3A_30[0] : i32 from vector<1xi32>
      %mul3A_32 = arith.constant 16 : i32
      %mul3A_33 = arith.muli %scan3A_14, %mul3A_32 : i32
      %add3A_34 = arith.constant 1 : i32
      %add3A_35 = arith.addi %mul3A_33, %add3A_34 : i32
      %dma_start3A_36 = arith.constant 0 : i32
      %dma_start3A_37 = tpu.memref_slice %arg6[%add3A_35, %dma_start3A_36] : memref<832x64xf32, #tpu.memory_space<vmem>> -> memref<1x64xf32, #tpu.memory_space<vmem>>
      %dma_start3A_38 = arith.constant 0 : i32
      %dma_start3A_39 = tpu.memref_slice %arg2[%squeeze3A_31, %dma_start3A_38] : memref<260000x64xf32, #tpu.memory_space<hbm>> -> memref<1x64xf32, #tpu.memory_space<hbm>>
      %dma_start3A_40 = arith.constant 0 : i32
      %dma_start3A_41 = tpu.memref_slice %arg6[%add3A_35, %dma_start3A_40] : memref<832x64xf32, #tpu.memory_space<vmem>> -> memref<1x64xf32, #tpu.memory_space<vmem>>
      %dma_start3A_42 = arith.constant 0 : i32
      %dma_start3A_43 = tpu.memref_slice %arg2[%squeeze3A_31, %dma_start3A_42] : memref<260000x64xf32, #tpu.memory_space<hbm>> -> memref<1x64xf32, #tpu.memory_space<hbm>>
      tpu.enqueue_dma source(%dma_start3A_43 : memref<1x64xf32, #tpu.memory_space<hbm>>) target(%dma_start3A_41 : memref<1x64xf32, #tpu.memory_space<vmem>>) target_semaphore(%arg7 : memref<!tpu.dma_semaphore, #tpu.memory_space<semaphore_mem>>)
      %slice3A_44 = vector.extract_strided_slice %get3A_18 {offsets = [2], sizes = [1], strides = [1]} : vector<16xi32> to vector<1xi32>
      %squeeze3A_45 = vector.extract %slice3A_44[0] : i32 from vector<1xi32>
      %mul3A_46 = arith.constant 16 : i32
      %mul3A_47 = arith.muli %scan3A_14, %mul3A_46 : i32
      %add3A_48 = arith.constant 2 : i32
      %add3A_49 = arith.addi %mul3A_47, %add3A_48 : i32
      %dma_start3A_50 = arith.constant 0 : i32
      %dma_start3A_51 = tpu.memref_slice %arg6[%add3A_49, %dma_start3A_50] : memref<832x64xf32, #tpu.memory_space<vmem>> -> memref<1x64xf32, #tpu.memory_space<vmem>>
      %dma_start3A_52 = arith.constant 0 : i32
      %dma_start3A_53 = tpu.memref_slice %arg2[%squeeze3A_45, %dma_start3A_52] : memref<260000x64xf32, #tpu.memory_space<hbm>> -> memref<1x64xf32, #tpu.memory_space<hbm>>
      %dma_start3A_54 = arith.constant 0 : i32
      %dma_start3A_55 = tpu.memref_slice %arg6[%add3A_49, %dma_start3A_54] : memref<832x64xf32, #tpu.memory_space<vmem>> -> memref<1x64xf32, #tpu.memory_space<vmem>>
      %dma_start3A_56 = arith.constant 0 : i32
      %dma_start3A_57 = tpu.memref_slice %arg2[%squeeze3A_45, %dma_start3A_56] : memref<260000x64xf32, #tpu.memory_space<hbm>> -> memref<1x64xf32, #tpu.memory_space<hbm>>
      tpu.enqueue_dma source(%dma_start3A_57 : memref<1x64xf32, #tpu.memory_space<hbm>>) target(%dma_start3A_55 : memref<1x64xf32, #tpu.memory_space<vmem>>) target_semaphore(%arg7 : memref<!tpu.dma_semaphore, #tpu.memory_space<semaphore_mem>>)
      %slice3A_58 = vector.extract_strided_slice %get3A_18 {offsets = [3], sizes = [1], strides = [1]} : vector<16xi32> to vector<1xi32>
      %squeeze3A_59 = vector.extract %slice3A_58[0] : i32 from vector<1xi32>
      %mul3A_60 = arith.constant 16 : i32
      %mul3A_61 = arith.muli %scan3A_14, %mul3A_60 : i32
      %add3A_62 = arith.constant 3 : i32
      %add3A_63 = arith.addi %mul3A_61, %add3A_62 : i32
      %dma_start3A_64 = arith.constant 0 : i32
      %dma_start3A_65 = tpu.memref_slice %arg6[%add3A_63, %dma_start3A_64] : memref<832x64xf32, #tpu.memory_space<vmem>> -> memref<1x64xf32, #tpu.memory_space<vmem>>
      %dma_start3A_66 = arith.constant 0 : i32
      %dma_start3A_67 = tpu.memref_slice %arg2[%squeeze3A_59, %dma_start3A_66] : memref<260000x64xf32, #tpu.memory_space<hbm>> -> memref<1x64xf32, #tpu.memory_space<hbm>>
      %dma_start3A_68 = arith.constant 0 : i32
      %dma_start3A_69 = tpu.memref_slice %arg6[%add3A_63, %dma_start3A_68] : memref<832x64xf32, #tpu.memory_space<vmem>> -> memref<1x64xf32, #tpu.memory_space<vmem>>
      %dma_start3A_70 = arith.constant 0 : i32
      %dma_start3A_71 = tpu.memref_slice %arg2[%squeeze3A_59, %dma_start3A_70] : memref<260000x64xf32, #tpu.memory_space<hbm>> -> memref<1x64xf32, #tpu.memory_space<hbm>>
      tpu.enqueue_dma source(%dma_start3A_71 : memref<1x64xf32, #tpu.memory_space<hbm>>) target(%dma_start3A_69 : memref<1x64xf32, #tpu.memory_space<vmem>>) target_semaphore(%arg7 : memref<!tpu.dma_semaphore, #tpu.memory_space<semaphore_mem>>)
      %slice3A_72 = vector.extract_strided_slice %get3A_18 {offsets = [4], sizes = [1], strides = [1]} : vector<16xi32> to vector<1xi32>
      %squeeze3A_73 = vector.extract %slice3A_72[0] : i32 from vector<1xi32>
      %mul3A_74 = arith.constant 16 : i32
      %mul3A_75 = arith.muli %scan3A_14, %mul3A_74 : i32
      %add3A_76 = arith.constant 4 : i32
      %add3A_77 = arith.addi %mul3A_75, %add3A_76 : i32
      %dma_start3A_78 = arith.constant 0 : i32
      %dma_start3A_79 = tpu.memref_slice %arg6[%add3A_77, %dma_start3A_78] : memref<832x64xf32, #tpu.memory_space<vmem>> -> memref<1x64xf32, #tpu.memory_space<vmem>>
      %dma_start3A_80 = arith.constant 0 : i32
      %dma_start3A_81 = tpu.memref_slice %arg2[%squeeze3A_73, %dma_start3A_80] : memref<260000x64xf32, #tpu.memory_space<hbm>> -> memref<1x64xf32, #tpu.memory_space<hbm>>
      %dma_start3A_82 = arith.constant 0 : i32
      %dma_start3A_83 = tpu.memref_slice %arg6[%add3A_77, %dma_start3A_82] : memref<832x64xf32, #tpu.memory_space<vmem>> -> memref<1x64xf32, #tpu.memory_space<vmem>>
      %dma_start3A_84 = arith.constant 0 : i32
      %dma_start3A_85 = tpu.memref_slice %arg2[%squeeze3A_73, %dma_start3A_84] : memref<260000x64xf32, #tpu.memory_space<hbm>> -> memref<1x64xf32, #tpu.memory_space<hbm>>
      tpu.enqueue_dma source(%dma_start3A_85 : memref<1x64xf32, #tpu.memory_space<hbm>>) target(%dma_start3A_83 : memref<1x64xf32, #tpu.memory_space<vmem>>) target_semaphore(%arg7 : memref<!tpu.dma_semaphore, #tpu.memory_space<semaphore_mem>>)
      %slice3A_86 = vector.extract_strided_slice %get3A_18 {offsets = [5], sizes = [1], strides = [1]} : vector<16xi32> to vector<1xi32>
      %squeeze3A_87 = vector.extract %slice3A_86[0] : i32 from vector<1xi32>
      %mul3A_88 = arith.constant 16 : i32
      %mul3A_89 = arith.muli %scan3A_14, %mul3A_88 : i32
      %add3A_90 = arith.constant 5 : i32
      %add3A_91 = arith.addi %mul3A_89, %add3A_90 : i32
      %dma_start3A_92 = arith.constant 0 : i32
      %dma_start3A_93 = tpu.memref_slice %arg6[%add3A_91, %dma_start3A_92] : memref<832x64xf32, #tpu.memory_space<vmem>> -> memref<1x64xf32, #tpu.memory_space<vmem>>
      %dma_start3A_94 = arith.constant 0 : i32
      %dma_start3A_95 = tpu.memref_slice %arg2[%squeeze3A_87, %dma_start3A_94] : memref<260000x64xf32, #tpu.memory_space<hbm>> -> memref<1x64xf32, #tpu.memory_space<hbm>>
      %dma_start3A_96 = arith.constant 0 : i32
      %dma_start3A_97 = tpu.memref_slice %arg6[%add3A_91, %dma_start3A_96] : memref<832x64xf32, #tpu.memory_space<vmem>> -> memref<1x64xf32, #tpu.memory_space<vmem>>
      %dma_start3A_98 = arith.constant 0 : i32
      %dma_start3A_99 = tpu.memref_slice %arg2[%squeeze3A_87, %dma_start3A_98] : memref<260000x64xf32, #tpu.memory_space<hbm>> -> memref<1x64xf32, #tpu.memory_space<hbm>>
      tpu.enqueue_dma source(%dma_start3A_99 : memref<1x64xf32, #tpu.memory_space<hbm>>) target(%dma_start3A_97 : memref<1x64xf32, #tpu.memory_space<vmem>>) target_semaphore(%arg7 : memref<!tpu.dma_semaphore, #tpu.memory_space<semaphore_mem>>)
      %slice3A_100 = vector.extract_strided_slice %get3A_18 {offsets = [6], sizes = [1], strides = [1]} : vector<16xi32> to vector<1xi32>
      %squeeze3A_101 = vector.extract %slice3A_100[0] : i32 from vector<1xi32>
      %mul3A_102 = arith.constant 16 : i32
      %mul3A_103 = arith.muli %scan3A_14, %mul3A_102 : i32
      %add3A_104 = arith.constant 6 : i32
      %add3A_105 = arith.addi %mul3A_103, %add3A_104 : i32
      %dma_start3A_106 = arith.constant 0 : i32
      %dma_start3A_107 = tpu.memref_slice %arg6[%add3A_105, %dma_start3A_106] : memref<832x64xf32, #tpu.memory_space<vmem>> -> memref<1x64xf32, #tpu.memory_space<vmem>>
      %dma_start3A_108 = arith.constant 0 : i32
      %dma_start3A_109 = tpu.memref_slice %arg2[%squeeze3A_101, %dma_start3A_108] : memref<260000x64xf32, #tpu.memory_space<hbm>> -> memref<1x64xf32, #tpu.memory_space<hbm>>
      %dma_start3A_110 = arith.constant 0 : i32
      %dma_start3A_111 = tpu.memref_slice %arg6[%add3A_105, %dma_start3A_110] : memref<832x64xf32, #tpu.memory_space<vmem>> -> memref<1x64xf32, #tpu.memory_space<vmem>>
      %dma_start3A_112 = arith.constant 0 : i32
      %dma_start3A_113 = tpu.memref_slice %arg2[%squeeze3A_101, %dma_start3A_112] : memref<260000x64xf32, #tpu.memory_space<hbm>> -> memref<1x64xf32, #tpu.memory_space<hbm>>
      tpu.enqueue_dma source(%dma_start3A_113 : memref<1x64xf32, #tpu.memory_space<hbm>>) target(%dma_start3A_111 : memref<1x64xf32, #tpu.memory_space<vmem>>) target_semaphore(%arg7 : memref<!tpu.dma_semaphore, #tpu.memory_space<semaphore_mem>>)
      %slice3A_114 = vector.extract_strided_slice %get3A_18 {offsets = [7], sizes = [1], strides = [1]} : vector<16xi32> to vector<1xi32>
      %squeeze3A_115 = vector.extract %slice3A_114[0] : i32 from vector<1xi32>
      %mul3A_116 = arith.constant 16 : i32
      %mul3A_117 = arith.muli %scan3A_14, %mul3A_116 : i32
      %add3A_118 = arith.constant 7 : i32
      %add3A_119 = arith.addi %mul3A_117, %add3A_118 : i32
      %dma_start3A_120 = arith.constant 0 : i32
      %dma_start3A_121 = tpu.memref_slice %arg6[%add3A_119, %dma_start3A_120] : memref<832x64xf32, #tpu.memory_space<vmem>> -> memref<1x64xf32, #tpu.memory_space<vmem>>
      %dma_start3A_122 = arith.constant 0 : i32
      %dma_start3A_123 = tpu.memref_slice %arg2[%squeeze3A_115, %dma_start3A_122] : memref<260000x64xf32, #tpu.memory_space<hbm>> -> memref<1x64xf32, #tpu.memory_space<hbm>>
      %dma_start3A_124 = arith.constant 0 : i32
      %dma_start3A_125 = tpu.memref_slice %arg6[%add3A_119, %dma_start3A_124] : memref<832x64xf32, #tpu.memory_space<vmem>> -> memref<1x64xf32, #tpu.memory_space<vmem>>
      %dma_start3A_126 = arith.constant 0 : i32
      %dma_start3A_127 = tpu.memref_slice %arg2[%squeeze3A_115, %dma_start3A_126] : memref<260000x64xf32, #tpu.memory_space<hbm>> -> memref<1x64xf32, #tpu.memory_space<hbm>>
      tpu.enqueue_dma source(%dma_start3A_127 : memref<1x64xf32, #tpu.memory_space<hbm>>) target(%dma_start3A_125 : memref<1x64xf32, #tpu.memory_space<vmem>>) target_semaphore(%arg7 : memref<!tpu.dma_semaphore, #tpu.memory_space<semaphore_mem>>)
      %slice3A_128 = vector.extract_strided_slice %get3A_18 {offsets = [8], sizes = [1], strides = [1]} : vector<16xi32> to vector<1xi32>
      %squeeze3A_129 = vector.extract %slice3A_128[0] : i32 from vector<1xi32>
      %mul3A_130 = arith.constant 16 : i32
      %mul3A_131 = arith.muli %scan3A_14, %mul3A_130 : i32
      %add3A_132 = arith.constant 8 : i32
      %add3A_133 = arith.addi %mul3A_131, %add3A_132 : i32
      %dma_start3A_134 = arith.constant 0 : i32
      %dma_start3A_135 = tpu.memref_slice %arg6[%add3A_133, %dma_start3A_134] : memref<832x64xf32, #tpu.memory_space<vmem>> -> memref<1x64xf32, #tpu.memory_space<vmem>>
      %dma_start3A_136 = arith.constant 0 : i32
      %dma_start3A_137 = tpu.memref_slice %arg2[%squeeze3A_129, %dma_start3A_136] : memref<260000x64xf32, #tpu.memory_space<hbm>> -> memref<1x64xf32, #tpu.memory_space<hbm>>
      %dma_start3A_138 = arith.constant 0 : i32
      %dma_start3A_139 = tpu.memref_slice %arg6[%add3A_133, %dma_start3A_138] : memref<832x64xf32, #tpu.memory_space<vmem>> -> memref<1x64xf32, #tpu.memory_space<vmem>>
      %dma_start3A_140 = arith.constant 0 : i32
      %dma_start3A_141 = tpu.memref_slice %arg2[%squeeze3A_129, %dma_start3A_140] : memref<260000x64xf32, #tpu.memory_space<hbm>> -> memref<1x64xf32, #tpu.memory_space<hbm>>
      tpu.enqueue_dma source(%dma_start3A_141 : memref<1x64xf32, #tpu.memory_space<hbm>>) target(%dma_start3A_139 : memref<1x64xf32, #tpu.memory_space<vmem>>) target_semaphore(%arg7 : memref<!tpu.dma_semaphore, #tpu.memory_space<semaphore_mem>>)
      %slice3A_142 = vector.extract_strided_slice %get3A_18 {offsets = [9], sizes = [1], strides = [1]} : vector<16xi32> to vector<1xi32>
      %squeeze3A_143 = vector.extract %slice3A_142[0] : i32 from vector<1xi32>
      %mul3A_144 = arith.constant 16 : i32
      %mul3A_145 = arith.muli %scan3A_14, %mul3A_144 : i32
      %add3A_146 = arith.constant 9 : i32
      %add3A_147 = arith.addi %mul3A_145, %add3A_146 : i32
      %dma_start3A_148 = arith.constant 0 : i32
      %dma_start3A_149 = tpu.memref_slice %arg6[%add3A_147, %dma_start3A_148] : memref<832x64xf32, #tpu.memory_space<vmem>> -> memref<1x64xf32, #tpu.memory_space<vmem>>
      %dma_start3A_150 = arith.constant 0 : i32
      %dma_start3A_151 = tpu.memref_slice %arg2[%squeeze3A_143, %dma_start3A_150] : memref<260000x64xf32, #tpu.memory_space<hbm>> -> memref<1x64xf32, #tpu.memory_space<hbm>>
      %dma_start3A_152 = arith.constant 0 : i32
      %dma_start3A_153 = tpu.memref_slice %arg6[%add3A_147, %dma_start3A_152] : memref<832x64xf32, #tpu.memory_space<vmem>> -> memref<1x64xf32, #tpu.memory_space<vmem>>
      %dma_start3A_154 = arith.constant 0 : i32
      %dma_start3A_155 = tpu.memref_slice %arg2[%squeeze3A_143, %dma_start3A_154] : memref<260000x64xf32, #tpu.memory_space<hbm>> -> memref<1x64xf32, #tpu.memory_space<hbm>>
      tpu.enqueue_dma source(%dma_start3A_155 : memref<1x64xf32, #tpu.memory_space<hbm>>) target(%dma_start3A_153 : memref<1x64xf32, #tpu.memory_space<vmem>>) target_semaphore(%arg7 : memref<!tpu.dma_semaphore, #tpu.memory_space<semaphore_mem>>)
      %slice3A_156 = vector.extract_strided_slice %get3A_18 {offsets = [10], sizes = [1], strides = [1]} : vector<16xi32> to vector<1xi32>
      %squeeze3A_157 = vector.extract %slice3A_156[0] : i32 from vector<1xi32>
      %mul3A_158 = arith.constant 16 : i32
      %mul3A_159 = arith.muli %scan3A_14, %mul3A_158 : i32
      %add3A_160 = arith.constant 10 : i32
      %add3A_161 = arith.addi %mul3A_159, %add3A_160 : i32
      %dma_start3A_162 = arith.constant 0 : i32
      %dma_start3A_163 = tpu.memref_slice %arg6[%add3A_161, %dma_start3A_162] : memref<832x64xf32, #tpu.memory_space<vmem>> -> memref<1x64xf32, #tpu.memory_space<vmem>>
      %dma_start3A_164 = arith.constant 0 : i32
      %dma_start3A_165 = tpu.memref_slice %arg2[%squeeze3A_157, %dma_start3A_164] : memref<260000x64xf32, #tpu.memory_space<hbm>> -> memref<1x64xf32, #tpu.memory_space<hbm>>
      %dma_start3A_166 = arith.constant 0 : i32
      %dma_start3A_167 = tpu.memref_slice %arg6[%add3A_161, %dma_start3A_166] : memref<832x64xf32, #tpu.memory_space<vmem>> -> memref<1x64xf32, #tpu.memory_space<vmem>>
      %dma_start3A_168 = arith.constant 0 : i32
      %dma_start3A_169 = tpu.memref_slice %arg2[%squeeze3A_157, %dma_start3A_168] : memref<260000x64xf32, #tpu.memory_space<hbm>> -> memref<1x64xf32, #tpu.memory_space<hbm>>
      tpu.enqueue_dma source(%dma_start3A_169 : memref<1x64xf32, #tpu.memory_space<hbm>>) target(%dma_start3A_167 : memref<1x64xf32, #tpu.memory_space<vmem>>) target_semaphore(%arg7 : memref<!tpu.dma_semaphore, #tpu.memory_space<semaphore_mem>>)
      %slice3A_170 = vector.extract_strided_slice %get3A_18 {offsets = [11], sizes = [1], strides = [1]} : vector<16xi32> to vector<1xi32>
      %squeeze3A_171 = vector.extract %slice3A_170[0] : i32 from vector<1xi32>
      %mul3A_172 = arith.constant 16 : i32
      %mul3A_173 = arith.muli %scan3A_14, %mul3A_172 : i32
      %add3A_174 = arith.constant 11 : i32
      %add3A_175 = arith.addi %mul3A_173, %add3A_174 : i32
      %dma_start3A_176 = arith.constant 0 : i32
      %dma_start3A_177 = tpu.memref_slice %arg6[%add3A_175, %dma_start3A_176] : memref<832x64xf32, #tpu.memory_space<vmem>> -> memref<1x64xf32, #tpu.memory_space<vmem>>
      %dma_start3A_178 = arith.constant 0 : i32
      %dma_start3A_179 = tpu.memref_slice %arg2[%squeeze3A_171, %dma_start3A_178] : memref<260000x64xf32, #tpu.memory_space<hbm>> -> memref<1x64xf32, #tpu.memory_space<hbm>>
      %dma_start3A_180 = arith.constant 0 : i32
      %dma_start3A_181 = tpu.memref_slice %arg6[%add3A_175, %dma_start3A_180] : memref<832x64xf32, #tpu.memory_space<vmem>> -> memref<1x64xf32, #tpu.memory_space<vmem>>
      %dma_start3A_182 = arith.constant 0 : i32
      %dma_start3A_183 = tpu.memref_slice %arg2[%squeeze3A_171, %dma_start3A_182] : memref<260000x64xf32, #tpu.memory_space<hbm>> -> memref<1x64xf32, #tpu.memory_space<hbm>>
      tpu.enqueue_dma source(%dma_start3A_183 : memref<1x64xf32, #tpu.memory_space<hbm>>) target(%dma_start3A_181 : memref<1x64xf32, #tpu.memory_space<vmem>>) target_semaphore(%arg7 : memref<!tpu.dma_semaphore, #tpu.memory_space<semaphore_mem>>)
      %slice3A_184 = vector.extract_strided_slice %get3A_18 {offsets = [12], sizes = [1], strides = [1]} : vector<16xi32> to vector<1xi32>
      %squeeze3A_185 = vector.extract %slice3A_184[0] : i32 from vector<1xi32>
      %mul3A_186 = arith.constant 16 : i32
      %mul3A_187 = arith.muli %scan3A_14, %mul3A_186 : i32
      %add3A_188 = arith.constant 12 : i32
      %add3A_189 = arith.addi %mul3A_187, %add3A_188 : i32
      %dma_start3A_190 = arith.constant 0 : i32
      %dma_start3A_191 = tpu.memref_slice %arg6[%add3A_189, %dma_start3A_190] : memref<832x64xf32, #tpu.memory_space<vmem>> -> memref<1x64xf32, #tpu.memory_space<vmem>>
      %dma_start3A_192 = arith.constant 0 : i32
      %dma_start3A_193 = tpu.memref_slice %arg2[%squeeze3A_185, %dma_start3A_192] : memref<260000x64xf32, #tpu.memory_space<hbm>> -> memref<1x64xf32, #tpu.memory_space<hbm>>
      %dma_start3A_194 = arith.constant 0 : i32
      %dma_start3A_195 = tpu.memref_slice %arg6[%add3A_189, %dma_start3A_194] : memref<832x64xf32, #tpu.memory_space<vmem>> -> memref<1x64xf32, #tpu.memory_space<vmem>>
      %dma_start3A_196 = arith.constant 0 : i32
      %dma_start3A_197 = tpu.memref_slice %arg2[%squeeze3A_185, %dma_start3A_196] : memref<260000x64xf32, #tpu.memory_space<hbm>> -> memref<1x64xf32, #tpu.memory_space<hbm>>
      tpu.enqueue_dma source(%dma_start3A_197 : memref<1x64xf32, #tpu.memory_space<hbm>>) target(%dma_start3A_195 : memref<1x64xf32, #tpu.memory_space<vmem>>) target_semaphore(%arg7 : memref<!tpu.dma_semaphore, #tpu.memory_space<semaphore_mem>>)
      %slice3A_198 = vector.extract_strided_slice %get3A_18 {offsets = [13], sizes = [1], strides = [1]} : vector<16xi32> to vector<1xi32>
      %squeeze3A_199 = vector.extract %slice3A_198[0] : i32 from vector<1xi32>
      %mul3A_200 = arith.constant 16 : i32
      %mul3A_201 = arith.muli %scan3A_14, %mul3A_200 : i32
      %add3A_202 = arith.constant 13 : i32
      %add3A_203 = arith.addi %mul3A_201, %add3A_202 : i32
      %dma_start3A_204 = arith.constant 0 : i32
      %dma_start3A_205 = tpu.memref_slice %arg6[%add3A_203, %dma_start3A_204] : memref<832x64xf32, #tpu.memory_space<vmem>> -> memref<1x64xf32, #tpu.memory_space<vmem>>
      %dma_start3A_206 = arith.constant 0 : i32
      %dma_start3A_207 = tpu.memref_slice %arg2[%squeeze3A_199, %dma_start3A_206] : memref<260000x64xf32, #tpu.memory_space<hbm>> -> memref<1x64xf32, #tpu.memory_space<hbm>>
      %dma_start3A_208 = arith.constant 0 : i32
      %dma_start3A_209 = tpu.memref_slice %arg6[%add3A_203, %dma_start3A_208] : memref<832x64xf32, #tpu.memory_space<vmem>> -> memref<1x64xf32, #tpu.memory_space<vmem>>
      %dma_start3A_210 = arith.constant 0 : i32
      %dma_start3A_211 = tpu.memref_slice %arg2[%squeeze3A_199, %dma_start3A_210] : memref<260000x64xf32, #tpu.memory_space<hbm>> -> memref<1x64xf32, #tpu.memory_space<hbm>>
      tpu.enqueue_dma source(%dma_start3A_211 : memref<1x64xf32, #tpu.memory_space<hbm>>) target(%dma_start3A_209 : memref<1x64xf32, #tpu.memory_space<vmem>>) target_semaphore(%arg7 : memref<!tpu.dma_semaphore, #tpu.memory_space<semaphore_mem>>)
      %slice3A_212 = vector.extract_strided_slice %get3A_18 {offsets = [14], sizes = [1], strides = [1]} : vector<16xi32> to vector<1xi32>
      %squeeze3A_213 = vector.extract %slice3A_212[0] : i32 from vector<1xi32>
      %mul3A_214 = arith.constant 16 : i32
      %mul3A_215 = arith.muli %scan3A_14, %mul3A_214 : i32
      %add3A_216 = arith.constant 14 : i32
      %add3A_217 = arith.addi %mul3A_215, %add3A_216 : i32
      %dma_start3A_218 = arith.constant 0 : i32
      %dma_start3A_219 = tpu.memref_slice %arg6[%add3A_217, %dma_start3A_218] : memref<832x64xf32, #tpu.memory_space<vmem>> -> memref<1x64xf32, #tpu.memory_space<vmem>>
      %dma_start3A_220 = arith.constant 0 : i32
      %dma_start3A_221 = tpu.memref_slice %arg2[%squeeze3A_213, %dma_start3A_220] : memref<260000x64xf32, #tpu.memory_space<hbm>> -> memref<1x64xf32, #tpu.memory_space<hbm>>
      %dma_start3A_222 = arith.constant 0 : i32
      %dma_start3A_223 = tpu.memref_slice %arg6[%add3A_217, %dma_start3A_222] : memref<832x64xf32, #tpu.memory_space<vmem>> -> memref<1x64xf32, #tpu.memory_space<vmem>>
      %dma_start3A_224 = arith.constant 0 : i32
      %dma_start3A_225 = tpu.memref_slice %arg2[%squeeze3A_213, %dma_start3A_224] : memref<260000x64xf32, #tpu.memory_space<hbm>> -> memref<1x64xf32, #tpu.memory_space<hbm>>
      tpu.enqueue_dma source(%dma_start3A_225 : memref<1x64xf32, #tpu.memory_space<hbm>>) target(%dma_start3A_223 : memref<1x64xf32, #tpu.memory_space<vmem>>) target_semaphore(%arg7 : memref<!tpu.dma_semaphore, #tpu.memory_space<semaphore_mem>>)
      %slice3A_226 = vector.extract_strided_slice %get3A_18 {offsets = [15], sizes = [1], strides = [1]} : vector<16xi32> to vector<1xi32>
      %squeeze3A_227 = vector.extract %slice3A_226[0] : i32 from vector<1xi32>
      %mul3A_228 = arith.constant 16 : i32
      %mul3A_229 = arith.muli %scan3A_14, %mul3A_228 : i32
      %add3A_230 = arith.constant 15 : i32
      %add3A_231 = arith.addi %mul3A_229, %add3A_230 : i32
      %dma_start3A_232 = arith.constant 0 : i32
      %dma_start3A_233 = tpu.memref_slice %arg6[%add3A_231, %dma_start3A_232] : memref<832x64xf32, #tpu.memory_space<vmem>> -> memref<1x64xf32, #tpu.memory_space<vmem>>
      %dma_start3A_234 = arith.constant 0 : i32
      %dma_start3A_235 = tpu.memref_slice %arg2[%squeeze3A_227, %dma_start3A_234] : memref<260000x64xf32, #tpu.memory_space<hbm>> -> memref<1x64xf32, #tpu.memory_space<hbm>>
      %dma_start3A_236 = arith.constant 0 : i32
      %dma_start3A_237 = tpu.memref_slice %arg6[%add3A_231, %dma_start3A_236] : memref<832x64xf32, #tpu.memory_space<vmem>> -> memref<1x64xf32, #tpu.memory_space<vmem>>
      %dma_start3A_238 = arith.constant 0 : i32
      %dma_start3A_239 = tpu.memref_slice %arg2[%squeeze3A_227, %dma_start3A_238] : memref<260000x64xf32, #tpu.memory_space<hbm>> -> memref<1x64xf32, #tpu.memory_space<hbm>>
      tpu.enqueue_dma source(%dma_start3A_239 : memref<1x64xf32, #tpu.memory_space<hbm>>) target(%dma_start3A_237 : memref<1x64xf32, #tpu.memory_space<vmem>>) target_semaphore(%arg7 : memref<!tpu.dma_semaphore, #tpu.memory_space<semaphore_mem>>)
    }
    %scan3A_7 = arith.constant 52 : i32
    %scan3A_8 = arith.constant 0 : i32
    %scan3A_9 = arith.constant 0 : i32
    %scan3A_10 = arith.constant 832 : i32
    %scan3A_11 = arith.addi %scan3A_9, %scan3A_10 : i32
    %scan3A_12 = arith.constant 1 : i32
    scf.for %scan3A_14 = %scan3A_9 to %scan3A_11 step %scan3A_12  : i32 {
      %dma_wait3A = arith.constant 0 : i32
      %dma_wait3A_15 = arith.constant 0 : i32
      %dma_wait3A_16 = tpu.memref_slice %arg6[%dma_wait3A, %dma_wait3A_15] : memref<832x64xf32, #tpu.memory_space<vmem>> -> memref<1x64xf32, #tpu.memory_space<vmem>>
      %dma_wait3A_17 = arith.constant 0 : i32
      %dma_wait3A_18 = arith.constant 0 : i32
      %dma_wait3A_19 = tpu.memref_slice %arg2[%dma_wait3A_17, %dma_wait3A_18] : memref<260000x64xf32, #tpu.memory_space<hbm>> -> memref<1x64xf32, #tpu.memory_space<hbm>>
      %dma_wait3A_20 = arith.constant 0 : i32
      %dma_wait3A_21 = arith.constant 0 : i32
      %dma_wait3A_22 = tpu.memref_slice %arg6[%dma_wait3A_20, %dma_wait3A_21] : memref<832x64xf32, #tpu.memory_space<vmem>> -> memref<1x64xf32, #tpu.memory_space<vmem>>
      %dma_wait3A_23 = arith.constant 0 : i32
      %dma_wait3A_24 = arith.constant 0 : i32
      %dma_wait3A_25 = tpu.memref_slice %arg2[%dma_wait3A_23, %dma_wait3A_24] : memref<260000x64xf32, #tpu.memory_space<hbm>> -> memref<1x64xf32, #tpu.memory_space<hbm>>
      tpu.wait_dma2 semaphore(%arg7 : memref<!tpu.dma_semaphore, #tpu.memory_space<semaphore_mem>>) src(%dma_wait3A_25 : memref<1x64xf32, #tpu.memory_space<hbm>>) dst(%dma_wait3A_22 : memref<1x64xf32, #tpu.memory_space<vmem>>)
    }
    %scan3A_13 = arith.constant 832 : i32
    "tpu.region"() ({
      %run_scoped3A = tpu.sem_alloc : memref<!tpu.dma_semaphore, #tpu.memory_space<semaphore_mem>>
      %dma_start3A = arith.constant 0 : i32
      %dma_start3A_14 = tpu.memref_slice %arg4[%mul3A_2, %dma_start3A] : memref<26624x64xf32, #tpu.memory_space<hbm>> -> memref<832x64xf32, #tpu.memory_space<hbm>>
      %dma_start3A_15 = arith.constant 0 : i32
      %dma_start3A_16 = tpu.memref_slice %arg4[%mul3A_2, %dma_start3A_15] : memref<26624x64xf32, #tpu.memory_space<hbm>> -> memref<832x64xf32, #tpu.memory_space<hbm>>
      tpu.enqueue_dma source(%arg6 : memref<832x64xf32, #tpu.memory_space<vmem>>) target(%dma_start3A_16 : memref<832x64xf32, #tpu.memory_space<hbm>>) target_semaphore(%run_scoped3A : memref<!tpu.dma_semaphore, #tpu.memory_space<semaphore_mem>>)
      %dma_wait3A = arith.constant 0 : i32
      %dma_wait3A_17 = tpu.memref_slice %arg4[%mul3A_2, %dma_wait3A] : memref<26624x64xf32, #tpu.memory_space<hbm>> -> memref<832x64xf32, #tpu.memory_space<hbm>>
      %dma_wait3A_18 = arith.constant 0 : i32
      %dma_wait3A_19 = tpu.memref_slice %arg4[%mul3A_2, %dma_wait3A_18] : memref<26624x64xf32, #tpu.memory_space<hbm>> -> memref<832x64xf32, #tpu.memory_space<hbm>>
      tpu.wait_dma2 semaphore(%run_scoped3A : memref<!tpu.dma_semaphore, #tpu.memory_space<semaphore_mem>>) src(%arg6 : memref<832x64xf32, #tpu.memory_space<vmem>>) dst(%dma_wait3A_19 : memref<832x64xf32, #tpu.memory_space<hbm>>)
      tpu.yield
    }) : () -> ()
    return
  }
}

module attributes {stable_mosaic.version = 14 : i64} {
  func.func @body(%arg0: i32, %arg1: memref<26x8192xf32, #tpu.memory_space<vmem>>, %arg2: memref<26x26xf32, #tpu.memory_space<vmem>>, %arg3: memref<26x8192xf32, #tpu.memory_space<vmem>>, %arg4: memref<8192x128xf32, #tpu.memory_space<vmem>>, %arg5: memref<1x1xf32, #tpu.memory_space<vmem>>, %arg6: memref<1x128xf32, #tpu.memory_space<vmem>>) attributes {dimension_semantics = [#tpu.dimension_semantics<arbitrary>], iteration_bounds = array<i64: 8>, scalar_prefetch = 0 : i64, scratch_operands = 0 : i64, tpu.core_type = #tpu.core_type<tc>, window_params = [{transform_indices = @transform_0, window_bounds = array<i64: 26, 8192>}, {pipeline_mode = #tpu.pipeline_mode<synchronous>, transform_indices = @transform_1, window_bounds = array<i64: 26, 26>}, {pipeline_mode = #tpu.pipeline_mode<synchronous>, transform_indices = @transform_2, window_bounds = array<i64: 26, 8192>}, {pipeline_mode = #tpu.pipeline_mode<synchronous>, transform_indices = @transform_3, window_bounds = array<i64: 8192, 128>}, {pipeline_mode = #tpu.pipeline_mode<synchronous>, transform_indices = @transform_4, window_bounds = array<i64: 1, 1>}, {transform_indices = @transform_5, window_bounds = array<i64: 1, 128>}]} {
    %get3A = arith.constant 0 : index
    %get3A_0 = arith.constant 0 : index
    %get3A_1 = vector.load %arg1[%get3A, %get3A_0] : memref<26x8192xf32, #tpu.memory_space<vmem>>, vector<26x8192xf32>
    %get3A_2 = arith.constant 0 : index
    %get3A_3 = arith.constant 0 : index
    %get3A_4 = vector.load %arg2[%get3A_2, %get3A_3] : memref<26x26xf32, #tpu.memory_space<vmem>>, vector<26x26xf32>
    %dot_general3A = arith.constant dense<0.000000e+00> : vector<26x8192xf32>
    %dot_general3A_5 = tpu.matmul %get3A_4, %get3A_1, %dot_general3A {dimension_numbers = #tpu.dot_dimension_numbers<[1], [0], [0], [1], [0, 0, 1, 1], [], []>, transpose_lhs_hint = false} : vector<26x26xf32>, vector<26x8192xf32>, vector<26x8192xf32> -> vector<26x8192xf32>
    %get3A_6 = arith.constant 0 : index
    %get3A_7 = arith.constant 0 : index
    %get3A_8 = vector.load %arg3[%get3A_6, %get3A_7] : memref<26x8192xf32, #tpu.memory_space<vmem>>, vector<26x8192xf32>
    %add3A = arith.addf %dot_general3A_5, %get3A_8 : vector<26x8192xf32>
    %mul3A = arith.mulf %get3A_1, %add3A : vector<26x8192xf32>
    %reduce_sum3A = arith.constant dense<0.000000e+00> : vector<8192xf32>
    %reduce_sum3A_9 = vector.multi_reduction <add>, %mul3A, %reduce_sum3A [0] : vector<26x8192xf32> to vector<8192xf32>
    %broadcast_in_dim3A = vector.shape_cast %reduce_sum3A_9 : vector<8192xf32> to vector<1x8192xf32>
    %get3A_10 = arith.constant 0 : index
    %get3A_11 = arith.constant 0 : index
    %get3A_12 = vector.load %arg4[%get3A_10, %get3A_11] : memref<8192x128xf32, #tpu.memory_space<vmem>>, vector<8192x128xf32>
    %dot_general3A_13 = arith.constant dense<0.000000e+00> : vector<1x128xf32>
    %dot_general3A_14 = tpu.matmul %broadcast_in_dim3A, %get3A_12, %dot_general3A_13 {dimension_numbers = #tpu.dot_dimension_numbers<[1], [0], [0], [1], [0, 0, 1, 1], [], []>, transpose_lhs_hint = false} : vector<1x8192xf32>, vector<8192x128xf32>, vector<1x128xf32> -> vector<1x128xf32>
    %get3A_15 = arith.constant 0 : index
    %get3A_16 = arith.constant 0 : index
    %get3A_17 = vector.load %arg5[%get3A_15, %get3A_16] : memref<1x1xf32, #tpu.memory_space<vmem>>, vector<1x1xf32>
    %get3A_18 = vector.extract %get3A_17[0, 0] : f32 from vector<1x1xf32>
    %add3A_19 = vector.broadcast %get3A_18 : f32 to vector<1x128xf32>
    %add3A_20 = arith.addf %dot_general3A_14, %add3A_19 : vector<1x128xf32>
    %logistic3A = arith.negf %add3A_20 : vector<1x128xf32>
    %logistic3A_21 = math.exp %logistic3A : vector<1x128xf32>
    %logistic3A_22 = arith.constant 1.000000e+00 : f32
    %logistic3A_23 = vector.broadcast %logistic3A_22 : f32 to vector<1x128xf32>
    %logistic3A_24 = arith.addf %logistic3A_23, %logistic3A_21 : vector<1x128xf32>
    %logistic3A_25 = arith.divf %logistic3A_23, %logistic3A_24 : vector<1x128xf32>
    %swap3A = arith.constant 0 : index
    %swap3A_26 = arith.constant 0 : index
    %swap3A_27 = vector.load %arg6[%swap3A, %swap3A_26] : memref<1x128xf32, #tpu.memory_space<vmem>>, vector<1x128xf32>
    tpu.vector_store %arg6[%swap3A, %swap3A_26], %logistic3A_25 {strides = array<i32>} : memref<1x128xf32, #tpu.memory_space<vmem>>, vector<1x128xf32>,
    return
  }
  func.func @transform_0(%arg0: i32) -> (i32, i32) {
    %c0_i32 = arith.constant 0 : i32
    %c0_i32_0 = arith.constant 0 : i32
    return %c0_i32, %arg0 : i32, i32
  }
  func.func @transform_1(%arg0: i32) -> (i32, i32) {
    %c0_i32 = arith.constant 0 : i32
    %c0_i32_0 = arith.constant 0 : i32
    %c0_i32_1 = arith.constant 0 : i32
    return %c0_i32, %c0_i32_0 : i32, i32
  }
  func.func @transform_2(%arg0: i32) -> (i32, i32) {
    %c0_i32 = arith.constant 0 : i32
    %c0_i32_0 = arith.constant 0 : i32
    %c0_i32_1 = arith.constant 0 : i32
    return %c0_i32, %c0_i32_0 : i32, i32
  }
  func.func @transform_3(%arg0: i32) -> (i32, i32) {
    %c0_i32 = arith.constant 0 : i32
    %c0_i32_0 = arith.constant 0 : i32
    %c0_i32_1 = arith.constant 0 : i32
    return %c0_i32, %c0_i32_0 : i32, i32
  }
  func.func @transform_4(%arg0: i32) -> (i32, i32) {
    %c0_i32 = arith.constant 0 : i32
    %c0_i32_0 = arith.constant 0 : i32
    %c0_i32_1 = arith.constant 0 : i32
    return %c0_i32, %c0_i32_0 : i32, i32
  }
  func.func @transform_5(%arg0: i32) -> (i32, i32) {
    %c0_i32 = arith.constant 0 : i32
    %c0_i32_0 = arith.constant 0 : i32
    return %c0_i32, %arg0 : i32, i32
  }
}

</mosaic_0001>

<sc_bundles>
// kernel: kernel.4.cloned.1.call-start
scs
__scs_entry_jumppad:
0x0: {  	(pc) =	sbr.rel $0x88, $3  }
0x1: {  	(tag) =	ssettag $0x0;
	lr =	simm.s32 $0x1  }
0x2: {  	[smem:$0x3F9C] =	sst lr;
	_ =	strace $0xD0000000  }
0x3: {  	_ = 	snop  }
0x4: {  	_ = 	snop  }
0x5: {  	_ = 	snop  }
0x6: {  	_ = 	snop  }
0x7: {  	_ = 	snop  }
__scs_overlays_trampoline_lowered:
0x8: {  	[smem:$0x3FAB] =	sst s0  }
0x9: {  	[smem:$0x3FAC] =	sst s1  }
0xa: {  	[smem:$0x3FAD] =	sst s2  }
0xb: {  	[smem:$0x3FAE] =	sst s3  }
0xc: {  	[smem:$0x3FAF] =	sst s4  }
0xd: {  	[smem:$0x3FB0] =	sst s5  }
0xe: {  	[smem:$0x3FB1] =	sst s6  }
0xf: {  	[smem:$0x3FB2] =	sst s7  }
0x10: {  	[smem:$0x3FB3] =	sst s8  }
0x11: {  	[smem:$0x3FB4] =	sst s9;
	s0 =	simm.s32 @!p0 $0x0  }
0x12: {  	s1 =	sld [smem:$0x3F9A];
	s0 =	simm.s32 @p0 $0x1  }
0x13: {  	[smem:$0x3FB5] =	sst s0;
	s0 =	simm.s32 @!p1 $0x0  }
0x14: {  	s2 =	sld [smem:$0x3F99];
	s0 =	simm.s32 @p1 $0x1  }
0x15: {  	[smem:$0x3FB6] =	sst s0;
	s0 =	simm.s32 @!p2 $0x0  }
0x16: {  	s3 =	sld [smem:$0x3FDB];
	s0 =	simm.s32 @p2 $0x1  }
0x17: {  	s4 =	simm.s32 $0x1BF5;
	[smem:$0x3FB8] =	sst s0  }
0x18: {  	s0 =	sld [smem:$0x3F9B];
	_ =	swait.ge [sflag:s4], $0x0  }
0x19: {  	s7 =	sld [smem:$0x3F9C]  }
0x1a: {  	s8 =	sadd.s32 $0xFFFFE003, lr  }
0x1b: {  	s9 =	sadd.s32 $0xFFFFFEF7, lr;
	s5 =	simm.s32 $0xFFFFFFFF;
	p2 =	slt.u32 s8, $0xFFFFF086  }
0x1c: {  	p1 =	slt.u32 s9, $0xF7A;
	s5 =	simm.s32 @!p2 $0x0  }
0x1d: {  	s5 =	simm.s32 @p1 $0x1;
	p0 =	seq.s32 s7, s2  }
0x1e: {  	s7 =	smul.u32 @!p0 $0xF7A, s2;
	p2 =	seq.s32 @!p0 s5, $0x0  }
0x1f: {  	s9 =	smul.u32 $0xF7A, s1;
	s8 =	simm.s32 @!p0 $0x1BF5;
	p2 =	por !p2, p0  }
0x20: {  	[sflag:s8] =	ssyncset.s32 @!p0 $0xFFFFF086;
	s6 =	sadd.s32 @!p0 s3, s7;
	s7 =	simm.s32 @!p0 $0x108  }
0x21: {  	s3 =	sadd.s32 s3, s9;
	s6 =	sadd.s32 @!p0 $0x88, s6;
	s7 =	simm.s32 @p2 $0x1082  }
0x22: {  	[simem:s7], [sflag:s8] =	dma.local @!p0 [hbm:s6], $0xF7A  }
0x23: {  	s9 =	sor.u32 $0xD0000000, s2;
	s6 =	simm.s32 $0x108;
	_ =	swait.ge @!p0 [sflag:s8], $0x0  }
0x24: {  	s3 =	sadd.s32 $0x88, s3;
	s6 =	simm.s32 @!p1 $0x1082;
	[sflag:s4] =	ssyncset.s32 $0xFFFFF086  }
0x25: {  	[simem:s6], [sflag:s4] =	dma.local [hbm:s3], $0xF7A  }
0x26: {  	[smem:$0x3F9C] =	sst s1;
	(tag) =	ssettag s2;
	_ =	strace s9  }
0x27: {  	s1 =	sld [smem:$0x3FAC]  }
0x28: {  	s2 =	sld [smem:$0x3FAD]  }
0x29: {  	s4 =	sld [smem:$0x3FAF]  }
0x2a: {  	p0 =	seq.s32 s5, $0x0;
	s5 =	sld [smem:$0x3FB0]  }
0x2b: {  	s6 =	sld [smem:$0x3FB1]  }
0x2c: {  	s7 =	sld [smem:$0x3FB2]  }
0x2d: {  	s3 =	simm.s32 $0x108;
	s8 =	sld [smem:$0x3FB3]  }
0x2e: {  	s3 =	simm.s32 @!p0 $0x1082;
	s9 =	sld [smem:$0x3FB4]  }
0x2f: {  	lr =	sadd.s32 s0, s3;
	s0 =	sld [smem:$0x3FAB]  }
0x30: {  	s3 =	sld [smem:$0x3FAE]  }
0x31: {  	[smem:$0x3FB7] =	sst s10  }
0x32: {  	s10 =	sld [smem:$0x3FB5];
	_ =	sdelay $0x3  }
0x33: {  	p0 =	seq.s32 s10, $0x1;
	s10 =	sld [smem:$0x3FB7];
	_ =	sdelay $0x3  }
0x34: {  	[smem:$0x3FB7] =	sst s10  }
0x35: {  	s10 =	sld [smem:$0x3FB6];
	_ =	sdelay $0x3  }
0x36: {  	p1 =	seq.s32 s10, $0x1;
	s10 =	sld [smem:$0x3FB7];
	_ =	sdelay $0x3  }
0x37: {  	[smem:$0x3FB7] =	sst s10  }
0x38: {  	s10 =	sld [smem:$0x3FB8]  }
0x39: {  	_ = 	snop;
	(pc) =	sbr.ind lr, $3  }
0x3a: {  	_ = 	snop  }
0x3b: {  	_ = 	snop  }
0x3c: {  	p2 =	seq.s32 s10, $0x1;
	s10 =	sld [smem:$0x3FB7]  }
0x3d: {  	_ =	shalt  }
0x3e: {  	_ =	shalt  }
0x3f: {  	_ =	shalt  }
0x40: {  	_ =	shalt  }
0x41: {  	_ =	shalt  }
0x42: {  	_ =	shalt  }
0x43: {  	_ =	shalt  }
0x44: {  	_ =	shalt  }
0x45: {  	_ =	shalt  }
0x46: {  	_ =	shalt  }
0x47: {  	_ =	shalt  }
0x48: {  	_ =	shalt  }
0x49: {  	_ =	shalt  }
0x4a: {  	_ =	shalt  }
0x4b: {  	_ =	shalt  }
0x4c: {  	_ =	shalt  }
0x4d: {  	_ =	shalt  }
0x4e: {  	_ =	shalt  }
0x4f: {  	_ =	shalt  }
0x50: {  	_ =	shalt  }
0x51: {  	_ =	shalt  }
0x52: {  	_ =	shalt  }
0x53: {  	_ =	shalt  }
0x54: {  	_ =	shalt  }
0x55: {  	_ =	shalt  }
0x56: {  	_ =	shalt  }
0x57: {  	_ =	shalt  }
0x58: {  	_ =	shalt  }
0x59: {  	_ =	shalt  }
0x5a: {  	_ =	shalt  }
0x5b: {  	_ =	shalt  }
0x5c: {  	_ =	shalt  }
0x5d: {  	_ =	shalt  }
0x5e: {  	_ =	shalt  }
0x5f: {  	_ =	shalt  }
0x60: {  	_ =	shalt  }
0x61: {  	_ =	shalt  }
0x62: {  	_ =	shalt  }
0x63: {  	_ =	shalt  }
0x64: {  	_ =	shalt  }
0x65: {  	_ =	shalt  }
0x66: {  	_ =	shalt  }
0x67: {  	_ =	shalt  }
0x68: {  	_ =	shalt  }
0x69: {  	_ =	shalt  }
0x6a: {  	_ =	shalt  }
0x6b: {  	_ =	shalt  }
0x6c: {  	_ =	shalt  }
0x6d: {  	_ =	shalt  }
0x6e: {  	_ =	shalt  }
0x6f: {  	_ =	shalt  }
0x70: {  	_ =	shalt  }
0x71: {  	_ =	shalt  }
0x72: {  	_ =	shalt  }
0x73: {  	_ =	shalt  }
0x74: {  	_ =	shalt  }
0x75: {  	_ =	shalt  }
0x76: {  	_ =	shalt  }
0x77: {  	_ =	shalt  }
0x78: {  	_ =	shalt  }
0x79: {  	_ =	shalt  }
0x7a: {  	_ =	shalt  }
0x7b: {  	_ =	shalt  }
0x7c: {  	_ =	shalt  }
0x7d: {  	_ =	shalt  }
0x7e: {  	_ =	shalt  }
0x7f: {  	_ =	shalt  }
0x80: {  	_ =	shalt  }
0x81: {  	_ =	shalt  }
0x82: {  	_ =	shalt  }
0x83: {  	_ =	shalt  }
0x84: {  	_ =	shalt  }
0x85: {  	_ =	shalt  }
0x86: {  	_ =	shalt  }
0x87: {  	_ =	shalt  }
.Lfunc_end0:
.L_simem_size_0:
called_computation_lowered:
.L_overlay_start_0:
0x88: {  	s2 =	sld [smem:$0x3FD9]  }
0x89: {  	s3 =	sld [smem:$0x3FFE];
	_ =	sdelay $0x1  }
0x8a: {  	s1 =	srdreg.scid  }
0x8b: {  	s0 =	sand.u32 $0x1, s1  }
0x8c: {  	s16 =	sshll.u32 s0, $0xA;
	s2 =	sadd.s32 s3, s2  }
0x8d: {  	s2 =	sadd.s32 s2, s16  }
0x8e: {  	[smem:$0x3FC3] =	sst s2  }
0x8f: {  	_ = 	snop  }
0x90: {  	(tm) =	ssettm $0x1  }
0x91: {  	s17 =	sld [smem:$0x3FFB];
	_ =	sdelay $0x3  }
0x92: {  	_ =	strace s17  }
0x93: {  	s2 =	sld [smem:$0x3FFC];
	_ =	sdelay $0x3  }
0x94: {  	_ =	strace s2  }
0x95: {  	s2 =	sld [smem:$0x3FFD];
	_ =	sdelay $0x3  }
0x96: {  	_ =	strace s2  }
0x97: {  	_ =	strace $0x8FFFFFFF  }
0x98: {  	s18 =	sld [smem:$0x3FDB];
	_ =	sdelay $0x1  }
0x99: {  	s19 =	simm.s32 $_scs_section_size  }
0x9a: {  	s4 =	simm.s32 $_size__tile_overlayer_lowered;
	s5 =	simm.s32 $_tile_overlayer_lowered  }
0x9b: {  	s22 =	simm.s32 $0x1BFF;
	s21 =	sshll.u32 s5, $0x1;
	s2 =	sadd.s32 s19, s18  }
0x9c: {  	s6 =	simm.s32 $0x0;
	s20 =	sshll.u32 s4, $0x1;
	s4 =	sadd.s32 s21, s2  }
0x9d: {  	[timem:s6], [sflag:s22] =	dma.local [hbm:s4], s20  }
0x9e: {  	_ =	swait.ge [sflag:s22], s20  }
0x9f: {  	s3 =	ssub.s32 $0x0, s20;
	[sflag:s22] =	ssyncset.done $0x0  }
0xa0: {  	[sflag:s22] =	ssyncadd.s32 s3;
	_ =	sdelay $0x1  }
0xa1: {  	s23 =	simm.s32 $0x1B8B  }
0xa2: {  	_ =	swait.ge [sflag:s23], $0x1  }
0xa3: {  	[sflag:s23] =	ssyncset.done $0x0  }
0xa4: {  	s25 =	simm.s32 $0x1B8E;
	s24 =	sld [smem:$0x3FFE];
	[sflag:s23] =	ssyncadd.s32 $0xFFFFFFFF  }
0xa5: {  	s26 =	simm.s32 $execute0_lowered;
	[smem:$0x3FD2] =	sst s25  }
0xa6: {  	s4 =	sshll.u32 s26, $0x1;
	_ =	strace $0x80000046;
	[dreg:$0x1] =	wrdreg $0xFFFFFFFF  }
0xa7: {  	s28 =	simm.s32 $_size_execute0_lowered;
	s2 =	sadd.s32 s2, s4;
	[dreg:$0x0] =	wrdreg $0x0  }
0xa8: {  	s4 =	sshll.u32 s28, $0x1;
	[dreg:$0x2] =	wrdreg s2  }
0xa9: {  	[dreg:$0x3] =	wrdreg s4  }
0xaa: {  	[dreg:$0x4] =	wrdreg $0xC0  }
0xab: {  	_ =	task [dreg:s6], $0x5FFFF  }
0xac: {  	[dreg:$0x1] =	wrdreg $0xFFFFFFFF  }
0xad: {  	[dreg:$0x0] =	wrdreg $0x60  }
0xae: {  	[dreg:$0x2] =	wrdreg s24  }
0xaf: {  	[dreg:$0x3] =	wrdreg $0x9  }
0xb0: {  	_ =	task.clear_ibuf [dreg:s6], $0x4FFFF;
	_ =	strace $0x90000046  }
0xb1: {  	s29 =	simm.s32 $0x9;
	_ =	strace $0x80000048  }
0xb2: {  	_ =	swait.ge [sflag:s29], $0x1  }
0xb3: {  	[sflag:s29] =	ssyncadd.s32 $0xFFFFFFFF  }
0xb4: {  	_ =	strace $0x90000048  }
0xb5: {  	_ =	sfence  }
0xb6: {  	s30 =	sld [smem:$0x0];
	_ =	sdelay $0x2  }
0xb7: {  	s31 =	sshll.u32 s1, $0xD;
	s1 =	sshrl.u32 s1, $0x2  }
0xb8: {  	s3 =	sand.u32 $0x4000, s31;
	s1 =	sadd.s32 s1, s30  }
0xb9: {  	s0 =	sor.u32 s3, s0;
	s1 =	sshll.u32 s1, $0x11  }
0xba: {  	s0 =	sor.u32 s1, s0  }
0xbb: {  	s0 =	sadd.s32 $0x8F2B, s0  }
0xbc: {  	[sflag:s0] =	ssyncadd.remote.s32 $0x1  }
0xbd: {  	_ =	sfence.sel $0xFFFF  }
0xbe: {  	[dreg:$0x0] =	wrdreg $0xFFFFFFFF;
	(pc) =	sbr.abs _section_cstart, $3  }
0xbf: {  	[dreg:$0x1] =	wrdreg $0xFFFFFFFF  }
0xc0: {  	_ =	task.clear_ibuf [dreg:s6], $0x2FFFF;
	_ =	strace $0x9FFFFFFF  }
0xc1: {  	(tm) =	ssettm $0x7FFFFFFF  }
tec
execute0_lowered:
.L_overlay_start_1:
0x0: {  	(tag) =	ssettag $0x1  }
0x1: {  	s1 =	srdreg.scid  }
0x2: {  	s0 =	stileid.u32;
	s4 =	rddreg [dreg:$0x0];
	s2 =	simm.s32 $0x0  }
0x3: {  	s9 =	simm.s32 $0x380;
	s3 =	sand.u32 $0x1, s1;
	s5 =	sshll.u32 s0, $0x1  }
0x4: {  	s10 =	simm.s32 $0x0;
	s1 =	rddreg [dreg:$0x1];
	s5 =	sor.u32 s3, s5  }
0x5: {  	[smem:$0x7FF] =	sst s2;
	s7 =	ssub.s32 $0x2, s3;
	s6 =	smul.u32 $0x68, s5  }
0x6: {  	_ =	strace $0x80000047;
	s5 =	smul.u32 $0x3400, s5;
	s8 =	sshrl.u32 s7, $0x1  }
0x7: {  	s3 =	sadd.s32 $0xA00, s4;
	s7 =	ssub.s32 s7, s8;
	s6 =	sadd.s32 s6, s4  }
0x8: {  	s8 =	simm.s32 $0x1;
	s5 =	sadd.s32 s5, s4;
	s4 =	sadd.s32 $0x3F8400, s6  }
0x9: {  	s5 =	sadd.s32 $0x3F9200, s5;
	s6 =	smax.u32 s7, $0x1;
	s7 =	simm.s32 $0x2  }
.LBB2_1:
0xa: {  	[tilespmem:s2], [sflag:$0x2] =	stream.linear.gather [hbm4b:s4+s2], $0x340, $0x38;
	[tilespmem:$0x1A380] =	vst v63  }
0xb: {  	_ =	swait.ge [sflag:s7], $0x340  }
0xc: {  	[sflag:s7] =	ssyncset.done $0x0  }
0xd: {  	[sflag:s7] =	ssyncadd.s32 $0xFFFFFCC0  }
0xe: {  	v0 =	vld [tilespmem:s2+$0x0];
	_ =	sdelay $0x4  }
0xf: {  	v0 =	vshll.u32 v0, $0x4  }
0x10: {  	(v2sf) =	vpush v0, $0x0  }
0x11: {  	(v2sf) =	vpush v0, $0x1  }
0x12: {  	(v2sf) =	vpush v0, $0x2;
	_ =	sdelay $0x1  }
0x13: {  	(v2sf) =	vpush v0, $0x4;
	_ =	sdelay $0x1  }
0x14: {  	(v2sf) =	vpush v0, $0x3  }
0x15: {  	(v2sf) =	vpush v0, $0x5  }
0x16: {  	s12 =	simm.s32 $0x2000;
	s11 =	simm.s32 $0x0;
	s13 =	simm.s32 $0x0;
	(v2sf) =	vpush v0, $0x6  }
.LBB2_2:
0x17: {  	p0 =	sne.s32 s12, $0x66000  }
0x18: {  	s23 =	sadd.s32 $0x400, s11;
	s17 =	sadd.s32 $0x900, s11;
	s14 =	smov.u32 s12  }
0x19: {  	s12 =	sadd.s32 $0x2000, s12;
	s20 =	sadd.s32 $0x700, s11;
	s15 =	sadd.s32 $0x980, s11;
	(v2sf) =	vpush v0, $0x7  }
0x1a: {  	s22 =	sadd.s32 $0x600, s11;
	s19 =	sadd.s32 $0x780, s11;
	s16 =	sadd.s32 $0xA00, s11  }
0x1b: {  	s24 =	sadd.s32 $0x380, s11;
	s25 =	sadd.s32 $0x580, s11;
	(v2sf) =	vpush v0, $0x8  }
0x1c: {  	s26 =	sadd.s32 $0x680, s11;
	s13 =	sadd.s32 $0x10, s13  }
0x1d: {  	s28 =	sadd.s32 $0x480, s11;
	s18 =	sadd.s32 $0x880, s11;
	s21 =	spop (v2sf);
	(v2sf) =	vpush v0, $0x9  }
0x1e: {  	s29 =	sand.u32 $0x1FFFFFF0, s21;
	s21 =	sadd.s32 $0x800, s11;
	s30 =	spop (v2sf)  }
0x1f: {  	s29 =	sadd.s32 s3, s29;
	s30 =	sand.u32 $0x1FFFFFF0, s30;
	s31 =	spop (v2sf);
	(v2sf) =	vpush v0, $0xA  }
0x20: {  	[tilespmem:s24], [sflag:$0x1] =	stream.linear.gather [hbm4b:s29+s2], $0x80, $0x38;
	[tilespmem:$0x1A380] =	vst v63  }
0x21: {  	s24 =	sadd.s32 s3, s30;
	s29 =	sadd.s32 $0x500, s11;
	s30 =	spop (v2sf);
	(v2sf) =	vpush v0, $0xB  }
0x22: {  	[tilespmem:s23], [sflag:$0x1] =	stream.linear.gather [hbm4b:s24+s2], $0x80, $0x38;
	[tilespmem:$0x1A380] =	vst v63  }
0x23: {  	s23 =	sand.u32 $0x1FFFFFF0, s31;
	s24 =	sand.u32 $0x1FFFFFF0, s30;
	s30 =	spop (v2sf);
	(v2sf) =	vpush v0, $0xC  }
0x24: {  	s23 =	sadd.s32 s3, s23;
	s30 =	sand.u32 $0x1FFFFFF0, s30;
	s31 =	spop (v2sf)  }
0x25: {  	[tilespmem:s28], [sflag:$0x1] =	stream.linear.gather [hbm4b:s23+s2], $0x80, $0x38;
	(v2sf) =	vpush v0, $0xD;
	[tilespmem:$0x1A380] =	vst v63  }
0x26: {  	s23 =	sadd.s32 s3, s30;
	s28 =	sand.u32 $0x1FFFFFF0, s31;
	s30 =	spop (v2sf)  }
0x27: {  	[tilespmem:s29], [sflag:$0x1] =	stream.linear.gather [hbm4b:s23+s2], $0x80, $0x38;
	(v2sf) =	vpush v0, $0xE;
	[tilespmem:$0x1A380] =	vst v63  }
0x28: {  	s23 =	sadd.s32 s3, s24;
	s24 =	sand.u32 $0x1FFFFFF0, s30;
	s29 =	spop (v2sf)  }
0x29: {  	[tilespmem:s25], [sflag:$0x1] =	stream.linear.gather [hbm4b:s23+s2], $0x80, $0x38;
	(v2sf) =	vpush v0, $0xF;
	[tilespmem:$0x1A380] =	vst v63  }
0x2a: {  	s23 =	sadd.s32 s3, s28;
	s25 =	sand.u32 $0x1FFFFFF0, s29;
	s28 =	spop (v2sf)  }
0x2b: {  	[tilespmem:s22], [sflag:$0x1] =	stream.linear.gather [hbm4b:s23+s2], $0x80, $0x38;
	[tilespmem:$0x1A380] =	vst v63  }
0x2c: {  	s22 =	sadd.s32 s3, s24;
	s23 =	sand.u32 $0x1FFFFFF0, s28;
	s24 =	spop (v2sf)  }
0x2d: {  	[tilespmem:s26], [sflag:$0x1] =	stream.linear.gather [hbm4b:s22+s2], $0x80, $0x38;
	[tilespmem:$0x1A380] =	vst v63  }
0x2e: {  	s22 =	sadd.s32 s3, s25;
	s24 =	sand.u32 $0x1FFFFFF0, s24;
	s25 =	spop (v2sf)  }
0x2f: {  	[tilespmem:s20], [sflag:$0x1] =	stream.linear.gather [hbm4b:s22+s2], $0x80, $0x38;
	[tilespmem:$0x1A380] =	vst v63  }
0x30: {  	s20 =	sadd.s32 s3, s23;
	s22 =	sand.u32 $0x1FFFFFF0, s25;
	s23 =	spop (v2sf)  }
0x31: {  	[tilespmem:s19], [sflag:$0x1] =	stream.linear.gather [hbm4b:s20+s2], $0x80, $0x38;
	[tilespmem:$0x1A380] =	vst v63  }
0x32: {  	s19 =	sadd.s32 s3, s24;
	s20 =	sand.u32 $0x1FFFFFF0, s23;
	s23 =	spop (v2sf)  }
0x33: {  	[tilespmem:s21], [sflag:$0x1] =	stream.linear.gather [hbm4b:s19+s2], $0x80, $0x38;
	[tilespmem:$0x1A380] =	vst v63  }
0x34: {  	s19 =	sadd.s32 s3, s22;
	s21 =	sand.u32 $0x1FFFFFF0, s23;
	s22 =	spop (v2sf)  }
0x35: {  	[tilespmem:s18], [sflag:$0x1] =	stream.linear.gather [hbm4b:s19+s2], $0x80, $0x38;
	[tilespmem:$0x1A380] =	vst v63  }
0x36: {  	s18 =	sadd.s32 s3, s20;
	s19 =	sand.u32 $0x1FFFFFF0, s22;
	s20 =	spop (v2sf)  }
0x37: {  	[tilespmem:s17], [sflag:$0x1] =	stream.linear.gather [hbm4b:s18+s2], $0x80, $0x38;
	[tilespmem:$0x1A380] =	vst v63  }
0x38: {  	s17 =	sadd.s32 s3, s21;
	s18 =	sand.u32 $0x1FFFFFF0, s20;
	s20 =	spop (v2sf)  }
0x39: {  	[tilespmem:s15], [sflag:$0x1] =	stream.linear.gather [hbm4b:s17+s2], $0x80, $0x38;
	[tilespmem:$0x1A380] =	vst v63  }
0x3a: {  	s15 =	sadd.s32 s3, s19;
	s17 =	sand.u32 $0x1FFFFFF0, s20  }
0x3b: {  	[tilespmem:s16], [sflag:$0x1] =	stream.linear.gather [hbm4b:s15+s2], $0x80, $0x38;
	[tilespmem:$0x1A380] =	vst v63  }
0x3c: {  	s15 =	sadd.s32 $0xA80, s11;
	s16 =	sadd.s32 s3, s18  }
0x3d: {  	[tilespmem:s15], [sflag:$0x1] =	stream.linear.gather [hbm4b:s16+s2], $0x80, $0x38;
	[tilespmem:$0x1A380] =	vst v63  }
0x3e: {  	s11 =	sadd.s32 $0xB00, s11;
	s15 =	sadd.s32 s3, s17  }
0x3f: {  	[tilespmem:s11], [sflag:$0x1] =	stream.linear.gather [hbm4b:s15+s2], $0x80, $0x38;
	[tilespmem:$0x1A380] =	vst v63  }
0x40: {  	v0 =	vld [tilespmem:s13+$0x0];
	_ =	sdelay $0x4  }
0x41: {  	v0 =	vshll.u32 v0, $0x4  }
0x42: {  	(v2sf) =	vpush v0, $0x0  }
0x43: {  	(v2sf) =	vpush v0, $0x1  }
0x44: {  	(v2sf) =	vpush v0, $0x2;
	_ =	sdelay $0x1  }
0x45: {  	(v2sf) =	vpush v0, $0x4  }
.Ltmp0:
0x46: {  	(pc) =	sbr.rel @p0 .LBB2_2-.Ltmp0, $3  }
0x47: {  	(v2sf) =	vpush v0, $0x3  }
0x48: {  	(v2sf) =	vpush v0, $0x5;
	_ =	sdelay $0x1  }
0x49: {  	s11 =	sshra.s32 s14, $0x2;
	(v2sf) =	vpush v0, $0x6  }
0x4a: {  	_ =	sdelay $0x1  }
0x4b: {  	s15 =	sadd.s32 $0x400, s11;
	s14 =	sadd.s32 $0x900, s11  }
0x4c: {  	s16 =	sadd.s32 $0x700, s11;
	s12 =	sadd.s32 $0x980, s11;
	(v2sf) =	vpush v0, $0x7;
	s17 =	sadd.s32 $0x600, s11  }
0x4d: {  	s18 =	sadd.s32 $0x780, s11;
	s13 =	sadd.s32 $0xA00, s11;
	s19 =	sadd.s32 $0x380, s11  }
0x4e: {  	s20 =	sadd.s32 $0x580, s11;
	s21 =	sadd.s32 $0x680, s11;
	(v2sf) =	vpush v0, $0x8;
	s22 =	spop (v2sf)  }
0x4f: {  	s23 =	sadd.s32 $0x480, s11;
	s22 =	sand.u32 $0x1FFFFFF0, s22;
	s24 =	spop (v2sf)  }
0x50: {  	(v2sf) =	vpush v0, $0x9;
	s22 =	sadd.s32 s3, s22;
	s24 =	sand.u32 $0x1FFFFFF0, s24;
	s25 =	spop (v2sf)  }
0x51: {  	[tilespmem:s19], [sflag:$0x1] =	stream.linear.gather [hbm4b:s22+s2], $0x80, $0x38;
	[tilespmem:$0x1A380] =	vst v63  }
0x52: {  	s26 =	sadd.s32 $0x500, s11;
	(v2sf) =	vpush v0, $0xA;
	s30 =	sadd.s32 s3, s24;
	s31 =	spop (v2sf)  }
0x53: {  	[tilespmem:s15], [sflag:$0x1] =	stream.linear.gather [hbm4b:s30+s2], $0x80, $0x38;
	[tilespmem:$0x1A380] =	vst v63  }
0x54: {  	s19 =	sadd.s32 $0x880, s11;
	s28 =	sand.u32 $0x1FFFFFF0, s25;
	(v2sf) =	vpush v0, $0xB;
	s29 =	spop (v2sf)  }
0x55: {  	s22 =	sadd.s32 s3, s28;
	s15 =	sadd.s32 $0x800, s11;
	s25 =	sand.u32 $0x1FFFFFF0, s29  }
0x56: {  	(v2sf) =	vpush v0, $0xC;
	[tilespmem:s23], [sflag:$0x1] =	stream.linear.gather [hbm4b:s22+s2], $0x80, $0x38;
	[tilespmem:$0x1A380] =	vst v63  }
0x57: {  	s30 =	sand.u32 $0x1FFFFFF0, s31;
	s31 =	spop (v2sf);
	s28 =	sadd.s32 s3, s25  }
0x58: {  	(v2sf) =	vpush v0, $0xD;
	[tilespmem:s26], [sflag:$0x1] =	stream.linear.gather [hbm4b:s28+s2], $0x80, $0x38;
	[tilespmem:$0x1A380] =	vst v63  }
0x59: {  	s22 =	sadd.s32 s3, s30;
	s23 =	sand.u32 $0x1FFFFFF0, s31;
	s29 =	spop (v2sf)  }
0x5a: {  	(v2sf) =	vpush v0, $0xE;
	[tilespmem:s20], [sflag:$0x1] =	stream.linear.gather [hbm4b:s22+s2], $0x80, $0x38;
	[tilespmem:$0x1A380] =	vst v63  }
0x5b: {  	s23 =	sadd.s32 s3, s23;
	s30 =	sand.u32 $0x1FFFFFF0, s29;
	s31 =	spop (v2sf)  }
0x5c: {  	(v2sf) =	vpush v0, $0xF;
	[tilespmem:s17], [sflag:$0x1] =	stream.linear.gather [hbm4b:s23+s2], $0x80, $0x38;
	[tilespmem:$0x1A380] =	vst v63  }
0x5d: {  	s24 =	sand.u32 $0x1FFFFFF0, s31;
	s25 =	spop (v2sf);
	s20 =	sadd.s32 s3, s30  }
0x5e: {  	[tilespmem:s21], [sflag:$0x1] =	stream.linear.gather [hbm4b:s20+s2], $0x80, $0x38;
	[tilespmem:$0x1A380] =	vst v63  }
0x5f: {  	s26 =	sand.u32 $0x1FFFFFF0, s25;
	s17 =	sadd.s32 s3, s24;
	s28 =	spop (v2sf)  }
0x60: {  	[tilespmem:s16], [sflag:$0x1] =	stream.linear.gather [hbm4b:s17+s2], $0x80, $0x38;
	[tilespmem:$0x1A380] =	vst v63  }
0x61: {  	s20 =	sadd.s32 s3, s26;
	s29 =	sand.u32 $0x1FFFFFF0, s28;
	s30 =	spop (v2sf)  }
0x62: {  	[tilespmem:s18], [sflag:$0x1] =	stream.linear.gather [hbm4b:s20+s2], $0x80, $0x38;
	[tilespmem:$0x1A380] =	vst v63  }
0x63: {  	s17 =	sand.u32 $0x1FFFFFF0, s30;
	s16 =	sadd.s32 s3, s29;
	s31 =	spop (v2sf)  }
0x64: {  	[tilespmem:s15], [sflag:$0x1] =	stream.linear.gather [hbm4b:s16+s2], $0x80, $0x38;
	[tilespmem:$0x1A380] =	vst v63  }
0x65: {  	s17 =	sadd.s32 s3, s17;
	s20 =	sand.u32 $0x1FFFFFF0, s31;
	s21 =	spop (v2sf)  }
0x66: {  	[tilespmem:s19], [sflag:$0x1] =	stream.linear.gather [hbm4b:s17+s2], $0x80, $0x38;
	[tilespmem:$0x1A380] =	vst v63  }
0x67: {  	s15 =	sadd.s32 s3, s20;
	s16 =	sand.u32 $0x1FFFFFF0, s21;
	s22 =	spop (v2sf)  }
0x68: {  	[tilespmem:s14], [sflag:$0x1] =	stream.linear.gather [hbm4b:s15+s2], $0x80, $0x38;
	[tilespmem:$0x1A380] =	vst v63  }
0x69: {  	s23 =	sand.u32 $0x1FFFFFF0, s22;
	s16 =	sadd.s32 s3, s16;
	s24 =	spop (v2sf)  }
0x6a: {  	[tilespmem:s12], [sflag:$0x1] =	stream.linear.gather [hbm4b:s16+s2], $0x80, $0x38;
	[tilespmem:$0x1A380] =	vst v63  }
0x6b: {  	s25 =	sand.u32 $0x1FFFFFF0, s24;
	s26 =	spop (v2sf);
	s14 =	sadd.s32 s3, s23  }
0x6c: {  	[tilespmem:s13], [sflag:$0x1] =	stream.linear.gather [hbm4b:s14+s2], $0x80, $0x38;
	[tilespmem:$0x1A380] =	vst v63  }
0x6d: {  	s29 =	sadd.s32 $0xA80, s11;
	s28 =	sand.u32 $0x1FFFFFF0, s26;
	s12 =	sadd.s32 s3, s25  }
0x6e: {  	[tilespmem:s29], [sflag:$0x1] =	stream.linear.gather [hbm4b:s12+s2], $0x80, $0x38;
	[tilespmem:$0x1A380] =	vst v63  }
0x6f: {  	s30 =	sadd.s32 $0xB00, s11;
	s31 =	sadd.s32 s3, s28  }
0x70: {  	[tilespmem:s30], [sflag:$0x1] =	stream.linear.gather [hbm4b:s31+s2], $0x80, $0x38;
	[tilespmem:$0x1A380] =	vst v63  }
0x71: {  	_ =	swait.ge [sflag:s8], $0x80  }
0x72: {  	s11 =	simm.s32 $0x33F;
	[sflag:s8] =	ssyncset.done $0x0  }
.LBB2_4:
0x73: {  	p0 =	sne.s32 s11, $0x1;
	s11 =	sadd.s32 $0xFFFFFFFF, s11;
	[sflag:s8] =	ssyncadd.s32 $0xFFFFFF80  }
.Ltmp1:
0x74: {  	(pc) =	sbr.rel @p0 .LBB2_4-.Ltmp1, $3  }
0x75: {  	_ =	sdelay $0x1  }
0x76: {  	_ =	swait.ge [sflag:s8], $0x80  }
0x77: {  	[sflag:s8] =	ssyncset.done $0x0  }
0x78: {  	s10 =	sadd.s32 $0x1, s10  }
0x79: {  	p0 =	sne.s32 s10, s6  }
.Ltmp2:
0x7a: {  	[sflag:s8] =	ssyncadd.s32 $0xFFFFFF80;
	(pc) =	sbr.rel @p0 .LBB2_1-.Ltmp2, $4  }
0x7b: {  	[hbm4b:s5+s2] =	stream.linear.scatter [tilespmem:s9], [sflag:$0x2], $0x1A000, $0x38;
	[tilespmem:$0x1A380] =	vst v63  }
0x7c: {  	_ =	swait.ge [sflag:s7], $0x1A000  }
0x7d: {  	[sflag:s7] =	ssyncset.done $0x0  }
0x7e: {  	[sflag:s7] =	ssyncadd.s32 $0xFFFE6000  }
0x7f: {  	_ =	sfence.sel $0x180000  }
0x80: {  	[bflag:$0x0] =	sbarrier.arrive $0xFFFF  }
0x81: {  	p0 =	sne.s32 s0, $0x0;
	_ =	strace $0x90000047  }
0x82: {  	s0 =	sadd.s32 @!p0 $0x100000, s1;
	[bflag:$0x2] =	sbarrier.arrive $0xFFFF  }
0x83: {  	[sflag:s0] =	ssyncadd.tile.s32 @!p0 $0x1;
	_ =	shalt  }
.Lfunc_end2:
_tile_overlayer_lowered:
.L_overlay_start_2:
0x84: {  	(tag) =	ssettag $0x2  }
0x85: {  	s0 =	rddreg [dreg:$0x0];
	s2 =	stileid.u32  }
0x86: {  	s1 =	rddreg [dreg:$0x1];
	p0 =	sne.s32 s2, $0x0  }
0x87: {  	s3 =	rddreg [dreg:$0x2];
	[bflag:$0x3] =	sbarrier.arrive $0xFFFF;
	s2 =	simm.s32 @!p0 $0x1C02  }
0x88: {  	[timem:s3], [sflag:s2] =	dma.local @!p0 [hbm:s0], s1  }
0x89: {  	s0 =	simm.s32 @!p0 $0x2  }
0x8a: {  	_ =	swait.ge @!p0 [sflag:s0], s1  }
0x8b: {  	s1 =	ssub.s32 @!p0 $0x0, s1;
	[sflag:s0] =	ssyncset.done @!p0 $0x0  }
0x8c: {  	[sflag:s0] =	ssyncadd.s32 @!p0 s1  }
0x8d: {  	[bflag:$0x3] =	sbarrier.arrive $0xFFFF  }
0x8e: {  	_ =	shalt  }

</sc_bundles>
